<compile_context>
chip_gen: v7x
topology: tpu7x:2x2x1
jax: 0.10.2.dev20260603
libtpu: 0.0.44.dev20260713+nightly
codegen_flags: <defaults>
</compile_context>

<pallas_src>
import functools

import jax
import jax.numpy as jnp
from jax import lax
from jax.experimental import pallas as pl
from jax.experimental.pallas import tpu as pltpu
from jax.experimental.pallas import tpu_sc as plsc

B, T, D, E = 32, 512, 64, 64
NC, NS = 2, 16
NW = NC * NS
TPW = T // NW
LANES = 16
EG = E // LANES


def _sc_build_body(var_hbm, pe_hbm, img_hbm, var_v, pe_v, buf):
    wid = lax.axis_index("s") * NC + lax.axis_index("c")
    t0 = wid * TPW

    pltpu.sync_copy(var_hbm, var_v)
    pltpu.sync_copy(pe_hbm.at[pl.ds(t0, TPW)], pe_v)

    def group_body(j, _):
        def row_body(i, _):
            p = pe_v[i, pl.ds(j * LANES, LANES)]

            def d_body(d, _):
                buf[i, pl.ds(d * E + j * LANES, LANES)] = (
                    var_v[d, pl.ds(j * LANES, LANES)] + p
                )
                return 0

            return lax.fori_loop(0, D, d_body, 0, unroll=8)

        return lax.fori_loop(0, TPW, row_body, 0)

    lax.fori_loop(0, EG, group_body, 0)

    pltpu.sync_copy(buf, img_hbm.at[pl.ds(t0, TPW)])


def _tc_fanout_body(img_ref, o_ref):
    o_ref[0] = img_ref[...]


@functools.partial(jax.jit, static_argnums=())
def kernel(x, var_table, pe):
    del x

    sc_build = pl.kernel(
        _sc_build_body,
        out_type=jax.ShapeDtypeStruct((T, D * E), jnp.float32),
        mesh=plsc.VectorSubcoreMesh(
            core_axis_name="c", subcore_axis_name="s", num_cores=NC
        ),
        scratch_types=[
            pltpu.VMEM((D, E), jnp.float32),
            pltpu.VMEM((TPW, E), jnp.float32),
            pltpu.VMEM((TPW, D * E), jnp.float32),
        ],
    )
    img = sc_build(var_table, pe)

    fanout = pl.pallas_call(
        _tc_fanout_body,
        grid=(B,),
        in_specs=[
            pl.BlockSpec((T, D * E), lambda b: (0, 0)),
        ],
        out_specs=pl.BlockSpec((1, T, D * E), lambda b: (b, 0, 0)),
        out_shape=jax.ShapeDtypeStruct((B, T, D * E), jnp.float32),
    )
    return fanout(img).reshape(B, T, D, E)

# --- scband reference (transcript-rebuilt; emitter-appended) ---
"""Pipeline reference for scband-variates-embedding-5171140624926 (READ-ONLY COPY).

The authoritative reference and input builder live on the scoring server;
editing this copy changes nothing except your own understanding.
"""

import jax, jax.numpy as jnp
import numpy as np
import math

NUM_VARS = 64
EMBED_DIM = 64
MAX_LEN = 5000


def _make_pe(embedding_dim, max_len):
    position = np.arange(max_len, dtype=np.float32)[:, None]
    div_term = np.exp(np.arange(0, embedding_dim, 2, dtype=np.float32) * -(math.log(10000.0) / embedding_dim))
    pe = np.zeros((max_len, embedding_dim), dtype=np.float32)
    pe[:, 0::2] = np.sin(position * div_term)
    pe[:, 1::2] = np.cos(position * div_term)
    return jnp.asarray(pe)


def setup_inputs(seed: int = 0) -> dict:
    key = jax.random.key(seed)
    k1, k2 = jax.random.split(key)
    x = jax.random.normal(k1, (32, 512, 64), dtype=jnp.float32)
    # nn.Embedding default init: N(0, 1)
    var_table = jax.random.normal(k2, (NUM_VARS, EMBED_DIM), dtype=jnp.float32)
    pe = _make_pe(EMBED_DIM, MAX_LEN)
    return {"x": x, "var_table": var_table, "pe": pe}


def reference(x, var_table, pe):
    B, T, D = x.shape
    # var_embed = embedding lookup of arange(D)
    var_embed = jnp.take(var_table, jnp.arange(D), axis=0)            # [D, E]
    var_embed = jnp.broadcast_to(var_embed[None, None, :, :], (B, T, D, var_table.shape[1]))
    pos_embed = pe[:T, :]                                             # [T, E]
    pos_embed = jnp.broadcast_to(pos_embed[:, None, :], (T, D, pe.shape[1]))
    pos_embed = jnp.broadcast_to(pos_embed[None, :, :, :], (B, T, D, pe.shape[1]))
    return var_embed + pos_embed

if __name__ == "__main__":
    import jax
    _d = setup_inputs()
    print(jax.jit(kernel)(*tuple(_d.values())))

</pallas_src>

<mosaic_0001>
#map = affine_map<(d0, d1) -> (0, 0)>
module attributes {stable_mosaic.version = 14 : i64} {
  func.func @_sc_build_body(%arg0: i32, %arg1: i32, %arg2: memref<64x64xf32, #tpu.memory_space<hbm>>, %arg3: memref<5000x64xf32, #tpu.memory_space<hbm>>, %arg4: memref<512x4096xf32, #tpu.memory_space<hbm>>, %arg5: memref<64x64xf32, #tpu.memory_space<vmem>>, %arg6: memref<16x64xf32, #tpu.memory_space<vmem>>, %arg7: memref<16x4096xf32, #tpu.memory_space<vmem>>) attributes {dimension_semantics = [#tpu.dimension_semantics<core_parallel>, #tpu.dimension_semantics<subcore_parallel>], iteration_bounds = array<i64: 2, 16>, scalar_prefetch = 0 : i64, scratch_operands = 3 : i64, tpu.core_type = #tpu.core_type<sc_vector_subcore>, window_params = [{transform_indices = #map}, {transform_indices = #map}, {transform_indices = #map}]} {
    %mul3A = arith.constant 2 : i32
    %mul3A_0 = arith.muli %arg1, %mul3A : i32
    %add3A = arith.addi %mul3A_0, %arg0 : i32
    %mul3A_1 = arith.constant 16 : i32
    %mul3A_2 = arith.muli %add3A, %mul3A_1 : i32
    "tpu.region"() ({
      %run_scoped3A = tpu.sem_alloc : memref<!tpu.dma_semaphore, #tpu.memory_space<semaphore_mem>>
      tpu.enqueue_dma source(%arg2 : memref<64x64xf32, #tpu.memory_space<hbm>>) target(%arg5 : memref<64x64xf32, #tpu.memory_space<vmem>>) target_semaphore(%run_scoped3A : memref<!tpu.dma_semaphore, #tpu.memory_space<semaphore_mem>>)
      tpu.wait_dma2 semaphore(%run_scoped3A : memref<!tpu.dma_semaphore, #tpu.memory_space<semaphore_mem>>) src(%arg2 : memref<64x64xf32, #tpu.memory_space<hbm>>) dst(%arg5 : memref<64x64xf32, #tpu.memory_space<vmem>>)
      tpu.yield
    }) : () -> ()
    "tpu.region"() ({
      %run_scoped3A = tpu.sem_alloc : memref<!tpu.dma_semaphore, #tpu.memory_space<semaphore_mem>>
      %dma_start3A = arith.constant 0 : i32
      %dma_start3A_9 = tpu.memref_slice %arg3[%mul3A_2, %dma_start3A] : memref<5000x64xf32, #tpu.memory_space<hbm>> -> memref<16x64xf32, #tpu.memory_space<hbm>>
      %dma_start3A_10 = arith.constant 0 : i32
      %dma_start3A_11 = tpu.memref_slice %arg3[%mul3A_2, %dma_start3A_10] : memref<5000x64xf32, #tpu.memory_space<hbm>> -> memref<16x64xf32, #tpu.memory_space<hbm>>
      tpu.enqueue_dma source(%dma_start3A_11 : memref<16x64xf32, #tpu.memory_space<hbm>>) target(%arg6 : memref<16x64xf32, #tpu.memory_space<vmem>>) target_semaphore(%run_scoped3A : memref<!tpu.dma_semaphore, #tpu.memory_space<semaphore_mem>>)
      %dma_wait3A = arith.constant 0 : i32
      %dma_wait3A_12 = tpu.memref_slice %arg3[%mul3A_2, %dma_wait3A] : memref<5000x64xf32, #tpu.memory_space<hbm>> -> memref<16x64xf32, #tpu.memory_space<hbm>>
      %dma_wait3A_13 = arith.constant 0 : i32
      %dma_wait3A_14 = tpu.memref_slice %arg3[%mul3A_2, %dma_wait3A_13] : memref<5000x64xf32, #tpu.memory_space<hbm>> -> memref<16x64xf32, #tpu.memory_space<hbm>>
      tpu.wait_dma2 semaphore(%run_scoped3A : memref<!tpu.dma_semaphore, #tpu.memory_space<semaphore_mem>>) src(%dma_wait3A_14 : memref<16x64xf32, #tpu.memory_space<hbm>>) dst(%arg6 : memref<16x64xf32, #tpu.memory_space<vmem>>)
      tpu.yield
    }) : () -> ()
    %scan3A = arith.constant 0 : i32
    %scan3A_3 = arith.constant 0 : i32
    %scan3A_4 = arith.constant 4 : i32
    %scan3A_5 = arith.addi %scan3A_3, %scan3A_4 : i32
    %scan3A_6 = arith.constant 1 : i32
    %scan3A_7 = scf.for %scan3A_9 = %scan3A_3 to %scan3A_5 step %scan3A_6 iter_args(%scan3A_10 = %scan3A) -> (i32)  : i32 {
      %scan3A_11 = arith.constant 0 : i32
      %scan3A_12 = arith.constant 0 : i32
      %scan3A_13 = arith.constant 16 : i32
      %scan3A_14 = arith.addi %scan3A_12, %scan3A_13 : i32
      %scan3A_15 = arith.constant 1 : i32
      %scan3A_16 = scf.for %scan3A_18 = %scan3A_12 to %scan3A_14 step %scan3A_15 iter_args(%scan3A_19 = %scan3A_11) -> (i32)  : i32 {
        %mul3A_20 = arith.constant 16 : i32
        %mul3A_21 = arith.muli %scan3A_9, %mul3A_20 : i32
        %get3A = arith.index_cast %scan3A_18 : i32 to index
        %get3A_22 = arith.index_cast %mul3A_21 : i32 to index
        %get3A_23 = tpu.vector_load %arg6[%get3A, %get3A_22] {strides = array<i32>} : memref<16x64xf32, #tpu.memory_space<vmem>>, vector<1x16xf32>,
        %get3A_24 = vector.shape_cast %get3A_23 : vector<1x16xf32> to vector<16xf32>
        %scan3A_25 = arith.constant 0 : i32
        %scan3A_26 = arith.constant 0 : i32
        %scan3A_27 = arith.constant 64 : i32
        %scan3A_28 = arith.addi %scan3A_26, %scan3A_27 : i32
        %scan3A_29 = arith.constant 8 : i32
        %scan3A_30 = scf.for %scan3A_32 = %scan3A_26 to %scan3A_28 step %scan3A_29 iter_args(%scan3A_33 = %scan3A_25) -> (i32)  : i32 {
          %mul3A_34 = arith.constant 16 : i32
          %mul3A_35 = arith.muli %scan3A_9, %mul3A_34 : i32
          %get3A_36 = arith.index_cast %scan3A_32 : i32 to index
          %get3A_37 = arith.index_cast %mul3A_35 : i32 to index
          %get3A_38 = tpu.vector_load %arg5[%get3A_36, %get3A_37] {strides = array<i32>} : memref<64x64xf32, #tpu.memory_space<vmem>>, vector<1x16xf32>,
          %get3A_39 = vector.shape_cast %get3A_38 : vector<1x16xf32> to vector<16xf32>
          %add3A_40 = arith.addf %get3A_39, %get3A_24 : vector<16xf32>
          %mul3A_41 = arith.constant 64 : i32
          %mul3A_42 = arith.muli %scan3A_32, %mul3A_41 : i32
          %mul3A_43 = arith.constant 16 : i32
          %mul3A_44 = arith.muli %scan3A_9, %mul3A_43 : i32
          %add3A_45 = arith.addi %mul3A_42, %mul3A_44 : i32
          %swap3A = arith.index_cast %scan3A_18 : i32 to index
          %swap3A_46 = arith.index_cast %add3A_45 : i32 to index
          %swap3A_47 = tpu.vector_load %arg7[%swap3A, %swap3A_46] {strides = array<i32>} : memref<16x4096xf32, #tpu.memory_space<vmem>>, vector<1x16xf32>,
          %swap3A_48 = vector.shape_cast %swap3A_47 : vector<1x16xf32> to vector<16xf32>
          %swap3A_49 = vector.shape_cast %add3A_40 : vector<16xf32> to vector<1x16xf32>
          tpu.vector_store %arg7[%swap3A, %swap3A_46], %swap3A_49 {strides = array<i32>} : memref<16x4096xf32, #tpu.memory_space<vmem>>, vector<1x16xf32>,
          %scan3A_50 = arith.constant 0 : i32
          %scan3A_51 = arith.constant 1 : i32
          %scan3A_52 = arith.addi %scan3A_32, %scan3A_51 : i32
          %mul3A_53 = arith.constant 16 : i32
          %mul3A_54 = arith.muli %scan3A_9, %mul3A_53 : i32
          %get3A_55 = arith.index_cast %scan3A_52 : i32 to index
          %get3A_56 = arith.index_cast %mul3A_54 : i32 to index
          %get3A_57 = tpu.vector_load %arg5[%get3A_55, %get3A_56] {strides = array<i32>} : memref<64x64xf32, #tpu.memory_space<vmem>>, vector<1x16xf32>,
          %get3A_58 = vector.shape_cast %get3A_57 : vector<1x16xf32> to vector<16xf32>
          %add3A_59 = arith.addf %get3A_58, %get3A_24 : vector<16xf32>
          %mul3A_60 = arith.constant 64 : i32
          %mul3A_61 = arith.muli %scan3A_52, %mul3A_60 : i32
          %mul3A_62 = arith.constant 16 : i32
          %mul3A_63 = arith.muli %scan3A_9, %mul3A_62 : i32
          %add3A_64 = arith.addi %mul3A_61, %mul3A_63 : i32
          %swap3A_65 = arith.index_cast %scan3A_18 : i32 to index
          %swap3A_66 = arith.index_cast %add3A_64 : i32 to index
          %swap3A_67 = tpu.vector_load %arg7[%swap3A_65, %swap3A_66] {strides = array<i32>} : memref<16x4096xf32, #tpu.memory_space<vmem>>, vector<1x16xf32>,
          %swap3A_68 = vector.shape_cast %swap3A_67 : vector<1x16xf32> to vector<16xf32>
          %swap3A_69 = vector.shape_cast %add3A_59 : vector<16xf32> to vector<1x16xf32>
          tpu.vector_store %arg7[%swap3A_65, %swap3A_66], %swap3A_69 {strides = array<i32>} : memref<16x4096xf32, #tpu.memory_space<vmem>>, vector<1x16xf32>,
          %scan3A_70 = arith.constant 0 : i32
          %scan3A_71 = arith.constant 2 : i32
          %scan3A_72 = arith.addi %scan3A_32, %scan3A_71 : i32
          %mul3A_73 = arith.constant 16 : i32
          %mul3A_74 = arith.muli %scan3A_9, %mul3A_73 : i32
          %get3A_75 = arith.index_cast %scan3A_72 : i32 to index
          %get3A_76 = arith.index_cast %mul3A_74 : i32 to index
          %get3A_77 = tpu.vector_load %arg5[%get3A_75, %get3A_76] {strides = array<i32>} : memref<64x64xf32, #tpu.memory_space<vmem>>, vector<1x16xf32>,
          %get3A_78 = vector.shape_cast %get3A_77 : vector<1x16xf32> to vector<16xf32>
          %add3A_79 = arith.addf %get3A_78, %get3A_24 : vector<16xf32>
          %mul3A_80 = arith.constant 64 : i32
          %mul3A_81 = arith.muli %scan3A_72, %mul3A_80 : i32
          %mul3A_82 = arith.constant 16 : i32
          %mul3A_83 = arith.muli %scan3A_9, %mul3A_82 : i32
          %add3A_84 = arith.addi %mul3A_81, %mul3A_83 : i32
          %swap3A_85 = arith.index_cast %scan3A_18 : i32 to index
          %swap3A_86 = arith.index_cast %add3A_84 : i32 to index
          %swap3A_87 = tpu.vector_load %arg7[%swap3A_85, %swap3A_86] {strides = array<i32>} : memref<16x4096xf32, #tpu.memory_space<vmem>>, vector<1x16xf32>,
          %swap3A_88 = vector.shape_cast %swap3A_87 : vector<1x16xf32> to vector<16xf32>
          %swap3A_89 = vector.shape_cast %add3A_79 : vector<16xf32> to vector<1x16xf32>
          tpu.vector_store %arg7[%swap3A_85, %swap3A_86], %swap3A_89 {strides = array<i32>} : memref<16x4096xf32, #tpu.memory_space<vmem>>, vector<1x16xf32>,
          %scan3A_90 = arith.constant 0 : i32
          %scan3A_91 = arith.constant 3 : i32
          %scan3A_92 = arith.addi %scan3A_32, %scan3A_91 : i32
          %mul3A_93 = arith.constant 16 : i32
          %mul3A_94 = arith.muli %scan3A_9, %mul3A_93 : i32
          %get3A_95 = arith.index_cast %scan3A_92 : i32 to index
          %get3A_96 = arith.index_cast %mul3A_94 : i32 to index
          %get3A_97 = tpu.vector_load %arg5[%get3A_95, %get3A_96] {strides = array<i32>} : memref<64x64xf32, #tpu.memory_space<vmem>>, vector<1x16xf32>,
          %get3A_98 = vector.shape_cast %get3A_97 : vector<1x16xf32> to vector<16xf32>
          %add3A_99 = arith.addf %get3A_98, %get3A_24 : vector<16xf32>
          %mul3A_100 = arith.constant 64 : i32
          %mul3A_101 = arith.muli %scan3A_92, %mul3A_100 : i32
          %mul3A_102 = arith.constant 16 : i32
          %mul3A_103 = arith.muli %scan3A_9, %mul3A_102 : i32
          %add3A_104 = arith.addi %mul3A_101, %mul3A_103 : i32
          %swap3A_105 = arith.index_cast %scan3A_18 : i32 to index
          %swap3A_106 = arith.index_cast %add3A_104 : i32 to index
          %swap3A_107 = tpu.vector_load %arg7[%swap3A_105, %swap3A_106] {strides = array<i32>} : memref<16x4096xf32, #tpu.memory_space<vmem>>, vector<1x16xf32>,
          %swap3A_108 = vector.shape_cast %swap3A_107 : vector<1x16xf32> to vector<16xf32>
          %swap3A_109 = vector.shape_cast %add3A_99 : vector<16xf32> to vector<1x16xf32>
          tpu.vector_store %arg7[%swap3A_105, %swap3A_106], %swap3A_109 {strides = array<i32>} : memref<16x4096xf32, #tpu.memory_space<vmem>>, vector<1x16xf32>,
          %scan3A_110 = arith.constant 0 : i32
          %scan3A_111 = arith.constant 4 : i32
          %scan3A_112 = arith.addi %scan3A_32, %scan3A_111 : i32
          %mul3A_113 = arith.constant 16 : i32
          %mul3A_114 = arith.muli %scan3A_9, %mul3A_113 : i32
          %get3A_115 = arith.index_cast %scan3A_112 : i32 to index
          %get3A_116 = arith.index_cast %mul3A_114 : i32 to index
          %get3A_117 = tpu.vector_load %arg5[%get3A_115, %get3A_116] {strides = array<i32>} : memref<64x64xf32, #tpu.memory_space<vmem>>, vector<1x16xf32>,
          %get3A_118 = vector.shape_cast %get3A_117 : vector<1x16xf32> to vector<16xf32>
          %add3A_119 = arith.addf %get3A_118, %get3A_24 : vector<16xf32>
          %mul3A_120 = arith.constant 64 : i32
          %mul3A_121 = arith.muli %scan3A_112, %mul3A_120 : i32
          %mul3A_122 = arith.constant 16 : i32
          %mul3A_123 = arith.muli %scan3A_9, %mul3A_122 : i32
          %add3A_124 = arith.addi %mul3A_121, %mul3A_123 : i32
          %swap3A_125 = arith.index_cast %scan3A_18 : i32 to index
          %swap3A_126 = arith.index_cast %add3A_124 : i32 to index
          %swap3A_127 = tpu.vector_load %arg7[%swap3A_125, %swap3A_126] {strides = array<i32>} : memref<16x4096xf32, #tpu.memory_space<vmem>>, vector<1x16xf32>,
          %swap3A_128 = vector.shape_cast %swap3A_127 : vector<1x16xf32> to vector<16xf32>
          %swap3A_129 = vector.shape_cast %add3A_119 : vector<16xf32> to vector<1x16xf32>
          tpu.vector_store %arg7[%swap3A_125, %swap3A_126], %swap3A_129 {strides = array<i32>} : memref<16x4096xf32, #tpu.memory_space<vmem>>, vector<1x16xf32>,
          %scan3A_130 = arith.constant 0 : i32
          %scan3A_131 = arith.constant 5 : i32
          %scan3A_132 = arith.addi %scan3A_32, %scan3A_131 : i32
          %mul3A_133 = arith.constant 16 : i32
          %mul3A_134 = arith.muli %scan3A_9, %mul3A_133 : i32
          %get3A_135 = arith.index_cast %scan3A_132 : i32 to index
          %get3A_136 = arith.index_cast %mul3A_134 : i32 to index
          %get3A_137 = tpu.vector_load %arg5[%get3A_135, %get3A_136] {strides = array<i32>} : memref<64x64xf32, #tpu.memory_space<vmem>>, vector<1x16xf32>,
          %get3A_138 = vector.shape_cast %get3A_137 : vector<1x16xf32> to vector<16xf32>
          %add3A_139 = arith.addf %get3A_138, %get3A_24 : vector<16xf32>
          %mul3A_140 = arith.constant 64 : i32
          %mul3A_141 = arith.muli %scan3A_132, %mul3A_140 : i32
          %mul3A_142 = arith.constant 16 : i32
          %mul3A_143 = arith.muli %scan3A_9, %mul3A_142 : i32
          %add3A_144 = arith.addi %mul3A_141, %mul3A_143 : i32
          %swap3A_145 = arith.index_cast %scan3A_18 : i32 to index
          %swap3A_146 = arith.index_cast %add3A_144 : i32 to index
          %swap3A_147 = tpu.vector_load %arg7[%swap3A_145, %swap3A_146] {strides = array<i32>} : memref<16x4096xf32, #tpu.memory_space<vmem>>, vector<1x16xf32>,
          %swap3A_148 = vector.shape_cast %swap3A_147 : vector<1x16xf32> to vector<16xf32>
          %swap3A_149 = vector.shape_cast %add3A_139 : vector<16xf32> to vector<1x16xf32>
          tpu.vector_store %arg7[%swap3A_145, %swap3A_146], %swap3A_149 {strides = array<i32>} : memref<16x4096xf32, #tpu.memory_space<vmem>>, vector<1x16xf32>,
          %scan3A_150 = arith.constant 0 : i32
          %scan3A_151 = arith.constant 6 : i32
          %scan3A_152 = arith.addi %scan3A_32, %scan3A_151 : i32
          %mul3A_153 = arith.constant 16 : i32
          %mul3A_154 = arith.muli %scan3A_9, %mul3A_153 : i32
          %get3A_155 = arith.index_cast %scan3A_152 : i32 to index
          %get3A_156 = arith.index_cast %mul3A_154 : i32 to index
          %get3A_157 = tpu.vector_load %arg5[%get3A_155, %get3A_156] {strides = array<i32>} : memref<64x64xf32, #tpu.memory_space<vmem>>, vector<1x16xf32>,
          %get3A_158 = vector.shape_cast %get3A_157 : vector<1x16xf32> to vector<16xf32>
          %add3A_159 = arith.addf %get3A_158, %get3A_24 : vector<16xf32>
          %mul3A_160 = arith.constant 64 : i32
          %mul3A_161 = arith.muli %scan3A_152, %mul3A_160 : i32
          %mul3A_162 = arith.constant 16 : i32
          %mul3A_163 = arith.muli %scan3A_9, %mul3A_162 : i32
          %add3A_164 = arith.addi %mul3A_161, %mul3A_163 : i32
          %swap3A_165 = arith.index_cast %scan3A_18 : i32 to index
          %swap3A_166 = arith.index_cast %add3A_164 : i32 to index
          %swap3A_167 = tpu.vector_load %arg7[%swap3A_165, %swap3A_166] {strides = array<i32>} : memref<16x4096xf32, #tpu.memory_space<vmem>>, vector<1x16xf32>,
          %swap3A_168 = vector.shape_cast %swap3A_167 : vector<1x16xf32> to vector<16xf32>
          %swap3A_169 = vector.shape_cast %add3A_159 : vector<16xf32> to vector<1x16xf32>
          tpu.vector_store %arg7[%swap3A_165, %swap3A_166], %swap3A_169 {strides = array<i32>} : memref<16x4096xf32, #tpu.memory_space<vmem>>, vector<1x16xf32>,
          %scan3A_170 = arith.constant 0 : i32
          %scan3A_171 = arith.constant 7 : i32
          %scan3A_172 = arith.addi %scan3A_32, %scan3A_171 : i32
          %mul3A_173 = arith.constant 16 : i32
          %mul3A_174 = arith.muli %scan3A_9, %mul3A_173 : i32
          %get3A_175 = arith.index_cast %scan3A_172 : i32 to index
          %get3A_176 = arith.index_cast %mul3A_174 : i32 to index
          %get3A_177 = tpu.vector_load %arg5[%get3A_175, %get3A_176] {strides = array<i32>} : memref<64x64xf32, #tpu.memory_space<vmem>>, vector<1x16xf32>,
          %get3A_178 = vector.shape_cast %get3A_177 : vector<1x16xf32> to vector<16xf32>
          %add3A_179 = arith.addf %get3A_178, %get3A_24 : vector<16xf32>
          %mul3A_180 = arith.constant 64 : i32
          %mul3A_181 = arith.muli %scan3A_172, %mul3A_180 : i32
          %mul3A_182 = arith.constant 16 : i32
          %mul3A_183 = arith.muli %scan3A_9, %mul3A_182 : i32
          %add3A_184 = arith.addi %mul3A_181, %mul3A_183 : i32
          %swap3A_185 = arith.index_cast %scan3A_18 : i32 to index
          %swap3A_186 = arith.index_cast %add3A_184 : i32 to index
          %swap3A_187 = tpu.vector_load %arg7[%swap3A_185, %swap3A_186] {strides = array<i32>} : memref<16x4096xf32, #tpu.memory_space<vmem>>, vector<1x16xf32>,
          %swap3A_188 = vector.shape_cast %swap3A_187 : vector<1x16xf32> to vector<16xf32>
          %swap3A_189 = vector.shape_cast %add3A_179 : vector<16xf32> to vector<1x16xf32>
          tpu.vector_store %arg7[%swap3A_185, %swap3A_186], %swap3A_189 {strides = array<i32>} : memref<16x4096xf32, #tpu.memory_space<vmem>>, vector<1x16xf32>,
          %scan3A_190 = arith.constant 0 : i32
          scf.yield %scan3A_190 : i32
        }
        %scan3A_31 = arith.constant 64 : i32
        scf.yield %scan3A_30 : i32
      }
      %scan3A_17 = arith.constant 16 : i32
      scf.yield %scan3A_16 : i32
    }
    %scan3A_8 = arith.constant 4 : i32
    "tpu.region"() ({
      %run_scoped3A = tpu.sem_alloc : memref<!tpu.dma_semaphore, #tpu.memory_space<semaphore_mem>>
      %dma_start3A = arith.constant 0 : i32
      %dma_start3A_9 = tpu.memref_slice %arg4[%mul3A_2, %dma_start3A] : memref<512x4096xf32, #tpu.memory_space<hbm>> -> memref<16x4096xf32, #tpu.memory_space<hbm>>
      %dma_start3A_10 = arith.constant 0 : i32
      %dma_start3A_11 = tpu.memref_slice %arg4[%mul3A_2, %dma_start3A_10] : memref<512x4096xf32, #tpu.memory_space<hbm>> -> memref<16x4096xf32, #tpu.memory_space<hbm>>
      tpu.enqueue_dma source(%arg7 : memref<16x4096xf32, #tpu.memory_space<vmem>>) target(%dma_start3A_11 : memref<16x4096xf32, #tpu.memory_space<hbm>>) target_semaphore(%run_scoped3A : memref<!tpu.dma_semaphore, #tpu.memory_space<semaphore_mem>>)
      %dma_wait3A = arith.constant 0 : i32
      %dma_wait3A_12 = tpu.memref_slice %arg4[%mul3A_2, %dma_wait3A] : memref<512x4096xf32, #tpu.memory_space<hbm>> -> memref<16x4096xf32, #tpu.memory_space<hbm>>
      %dma_wait3A_13 = arith.constant 0 : i32
      %dma_wait3A_14 = tpu.memref_slice %arg4[%mul3A_2, %dma_wait3A_13] : memref<512x4096xf32, #tpu.memory_space<hbm>> -> memref<16x4096xf32, #tpu.memory_space<hbm>>
      tpu.wait_dma2 semaphore(%run_scoped3A : memref<!tpu.dma_semaphore, #tpu.memory_space<semaphore_mem>>) src(%arg7 : memref<16x4096xf32, #tpu.memory_space<vmem>>) dst(%dma_wait3A_14 : memref<16x4096xf32, #tpu.memory_space<hbm>>)
      tpu.yield
    }) : () -> ()
    return
  }
}

module attributes {stable_mosaic.version = 14 : i64} {
  func.func @_tc_fanout_body(%arg0: i32, %arg1: memref<512x4096xf32, #tpu.memory_space<vmem>>, %arg2: memref<1x512x4096xf32, #tpu.memory_space<vmem>>) attributes {dimension_semantics = [#tpu.dimension_semantics<arbitrary>], iteration_bounds = array<i64: 32>, scalar_prefetch = 0 : i64, scratch_operands = 0 : i64, tpu.core_type = #tpu.core_type<tc>, window_params = [{pipeline_mode = #tpu.pipeline_mode<synchronous>, transform_indices = @transform_0, window_bounds = array<i64: 512, 4096>}, {transform_indices = @transform_1, window_bounds = array<i64: 1, 512, 4096>}]} {
    %get3A = arith.constant 0 : index
    %get3A_0 = arith.constant 0 : index
    %get3A_1 = vector.load %arg1[%get3A, %get3A_0] : memref<512x4096xf32, #tpu.memory_space<vmem>>, vector<512x4096xf32>
    %swap3A = arith.constant 0 : index
    %swap3A_2 = arith.constant 0 : index
    %swap3A_3 = arith.constant 0 : index
    %swap3A_4 = vector.load %arg2[%swap3A, %swap3A_2, %swap3A_3] : memref<1x512x4096xf32, #tpu.memory_space<vmem>>, vector<1x512x4096xf32>
    %swap3A_5 = vector.shape_cast %swap3A_4 : vector<1x512x4096xf32> to vector<512x4096xf32>
    %swap3A_6 = vector.shape_cast %get3A_1 : vector<512x4096xf32> to vector<1x512x4096xf32>
    tpu.vector_store %arg2[%swap3A, %swap3A_2, %swap3A_3], %swap3A_6 {strides = array<i32>} : memref<1x512x4096xf32, #tpu.memory_space<vmem>>, vector<1x512x4096xf32>,
    return
  }
  func.func @transform_0(%arg0: i32) -> (i32, i32) {
    %c0_i32 = arith.constant 0 : i32
    %c0_i32_0 = arith.constant 0 : i32
    %c0_i32_1 = arith.constant 0 : i32
    return %c0_i32, %c0_i32_0 : i32, i32
  }
  func.func @transform_1(%arg0: i32) -> (i32, i32, i32) {
    %c0_i32 = arith.constant 0 : i32
    %c0_i32_0 = arith.constant 0 : i32
    %c0_i32_1 = arith.constant 0 : i32
    return %arg0, %c0_i32, %c0_i32_0 : i32, i32, i32
  }
}

</mosaic_0001>

<sc_bundles>
// kernel: kernel.4.cloned.1.call-start
scs
__scs_entry_jumppad:
0x0: {  	(pc) =	sbr.rel $0x88, $3  }
0x1: {  	(tag) =	ssettag $0x0;
	lr =	simm.s32 $0x1  }
0x2: {  	[smem:$0x3F9F] =	sst lr;
	_ =	strace $0xD0000000  }
0x3: {  	_ = 	snop  }
0x4: {  	_ = 	snop  }
0x5: {  	_ = 	snop  }
0x6: {  	_ = 	snop  }
0x7: {  	_ = 	snop  }
__scs_overlays_trampoline_lowered:
0x8: {  	[smem:$0x3FAE] =	sst s0  }
0x9: {  	[smem:$0x3FAF] =	sst s1  }
0xa: {  	[smem:$0x3FB0] =	sst s2  }
0xb: {  	[smem:$0x3FB1] =	sst s3  }
0xc: {  	[smem:$0x3FB2] =	sst s4  }
0xd: {  	[smem:$0x3FB3] =	sst s5  }
0xe: {  	[smem:$0x3FB4] =	sst s6  }
0xf: {  	[smem:$0x3FB5] =	sst s7  }
0x10: {  	[smem:$0x3FB6] =	sst s8  }
0x11: {  	[smem:$0x3FB7] =	sst s9;
	s0 =	simm.s32 @!p0 $0x0  }
0x12: {  	s1 =	sld [smem:$0x3F9D];
	s0 =	simm.s32 @p0 $0x1  }
0x13: {  	[smem:$0x3FB8] =	sst s0;
	s0 =	simm.s32 @!p1 $0x0  }
0x14: {  	s2 =	sld [smem:$0x3F9C];
	s0 =	simm.s32 @p1 $0x1  }
0x15: {  	[smem:$0x3FB9] =	sst s0;
	s0 =	simm.s32 @!p2 $0x0  }
0x16: {  	s3 =	sld [smem:$0x3FDB];
	s0 =	simm.s32 @p2 $0x1  }
0x17: {  	s4 =	simm.s32 $0x1BF5;
	[smem:$0x3FBB] =	sst s0  }
0x18: {  	s0 =	sld [smem:$0x3F9E];
	_ =	swait.ge [sflag:s4], $0x0  }
0x19: {  	s7 =	sld [smem:$0x3F9F]  }
0x1a: {  	s8 =	sadd.s32 $0xFFFFE003, lr  }
0x1b: {  	s9 =	sadd.s32 $0xFFFFFEF7, lr;
	s5 =	simm.s32 $0xFFFFFFFF;
	p2 =	slt.u32 s8, $0xFFFFF086  }
0x1c: {  	p1 =	slt.u32 s9, $0xF7A;
	s5 =	simm.s32 @!p2 $0x0  }
0x1d: {  	s5 =	simm.s32 @p1 $0x1;
	p0 =	seq.s32 s7, s2  }
0x1e: {  	s7 =	smul.u32 @!p0 $0xF7A, s2;
	p2 =	seq.s32 @!p0 s5, $0x0  }
0x1f: {  	s9 =	smul.u32 $0xF7A, s1;
	s8 =	simm.s32 @!p0 $0x1BF5;
	p2 =	por !p2, p0  }
0x20: {  	[sflag:s8] =	ssyncset.s32 @!p0 $0xFFFFF086;
	s6 =	sadd.s32 @!p0 s3, s7;
	s7 =	simm.s32 @!p0 $0x108  }
0x21: {  	s3 =	sadd.s32 s3, s9;
	s6 =	sadd.s32 @!p0 $0x88, s6;
	s7 =	simm.s32 @p2 $0x1082  }
0x22: {  	[simem:s7], [sflag:s8] =	dma.local @!p0 [hbm:s6], $0xF7A  }
0x23: {  	s9 =	sor.u32 $0xD0000000, s2;
	s6 =	simm.s32 $0x108;
	_ =	swait.ge @!p0 [sflag:s8], $0x0  }
0x24: {  	s3 =	sadd.s32 $0x88, s3;
	s6 =	simm.s32 @!p1 $0x1082;
	[sflag:s4] =	ssyncset.s32 $0xFFFFF086  }
0x25: {  	[simem:s6], [sflag:s4] =	dma.local [hbm:s3], $0xF7A  }
0x26: {  	[smem:$0x3F9F] =	sst s1;
	(tag) =	ssettag s2;
	_ =	strace s9  }
0x27: {  	s1 =	sld [smem:$0x3FAF]  }
0x28: {  	s2 =	sld [smem:$0x3FB0]  }
0x29: {  	s4 =	sld [smem:$0x3FB2]  }
0x2a: {  	p0 =	seq.s32 s5, $0x0;
	s5 =	sld [smem:$0x3FB3]  }
0x2b: {  	s6 =	sld [smem:$0x3FB4]  }
0x2c: {  	s7 =	sld [smem:$0x3FB5]  }
0x2d: {  	s3 =	simm.s32 $0x108;
	s8 =	sld [smem:$0x3FB6]  }
0x2e: {  	s3 =	simm.s32 @!p0 $0x1082;
	s9 =	sld [smem:$0x3FB7]  }
0x2f: {  	lr =	sadd.s32 s0, s3;
	s0 =	sld [smem:$0x3FAE]  }
0x30: {  	s3 =	sld [smem:$0x3FB1]  }
0x31: {  	[smem:$0x3FBA] =	sst s10  }
0x32: {  	s10 =	sld [smem:$0x3FB8];
	_ =	sdelay $0x3  }
0x33: {  	p0 =	seq.s32 s10, $0x1;
	s10 =	sld [smem:$0x3FBA];
	_ =	sdelay $0x3  }
0x34: {  	[smem:$0x3FBA] =	sst s10  }
0x35: {  	s10 =	sld [smem:$0x3FB9];
	_ =	sdelay $0x3  }
0x36: {  	p1 =	seq.s32 s10, $0x1;
	s10 =	sld [smem:$0x3FBA];
	_ =	sdelay $0x3  }
0x37: {  	[smem:$0x3FBA] =	sst s10  }
0x38: {  	s10 =	sld [smem:$0x3FBB]  }
0x39: {  	_ = 	snop;
	(pc) =	sbr.ind lr, $3  }
0x3a: {  	_ = 	snop  }
0x3b: {  	_ = 	snop  }
0x3c: {  	p2 =	seq.s32 s10, $0x1;
	s10 =	sld [smem:$0x3FBA]  }
0x3d: {  	_ =	shalt  }
0x3e: {  	_ =	shalt  }
0x3f: {  	_ =	shalt  }
0x40: {  	_ =	shalt  }
0x41: {  	_ =	shalt  }
0x42: {  	_ =	shalt  }
0x43: {  	_ =	shalt  }
0x44: {  	_ =	shalt  }
0x45: {  	_ =	shalt  }
0x46: {  	_ =	shalt  }
0x47: {  	_ =	shalt  }
0x48: {  	_ =	shalt  }
0x49: {  	_ =	shalt  }
0x4a: {  	_ =	shalt  }
0x4b: {  	_ =	shalt  }
0x4c: {  	_ =	shalt  }
0x4d: {  	_ =	shalt  }
0x4e: {  	_ =	shalt  }
0x4f: {  	_ =	shalt  }
0x50: {  	_ =	shalt  }
0x51: {  	_ =	shalt  }
0x52: {  	_ =	shalt  }
0x53: {  	_ =	shalt  }
0x54: {  	_ =	shalt  }
0x55: {  	_ =	shalt  }
0x56: {  	_ =	shalt  }
0x57: {  	_ =	shalt  }
0x58: {  	_ =	shalt  }
0x59: {  	_ =	shalt  }
0x5a: {  	_ =	shalt  }
0x5b: {  	_ =	shalt  }
0x5c: {  	_ =	shalt  }
0x5d: {  	_ =	shalt  }
0x5e: {  	_ =	shalt  }
0x5f: {  	_ =	shalt  }
0x60: {  	_ =	shalt  }
0x61: {  	_ =	shalt  }
0x62: {  	_ =	shalt  }
0x63: {  	_ =	shalt  }
0x64: {  	_ =	shalt  }
0x65: {  	_ =	shalt  }
0x66: {  	_ =	shalt  }
0x67: {  	_ =	shalt  }
0x68: {  	_ =	shalt  }
0x69: {  	_ =	shalt  }
0x6a: {  	_ =	shalt  }
0x6b: {  	_ =	shalt  }
0x6c: {  	_ =	shalt  }
0x6d: {  	_ =	shalt  }
0x6e: {  	_ =	shalt  }
0x6f: {  	_ =	shalt  }
0x70: {  	_ =	shalt  }
0x71: {  	_ =	shalt  }
0x72: {  	_ =	shalt  }
0x73: {  	_ =	shalt  }
0x74: {  	_ =	shalt  }
0x75: {  	_ =	shalt  }
0x76: {  	_ =	shalt  }
0x77: {  	_ =	shalt  }
0x78: {  	_ =	shalt  }
0x79: {  	_ =	shalt  }
0x7a: {  	_ =	shalt  }
0x7b: {  	_ =	shalt  }
0x7c: {  	_ =	shalt  }
0x7d: {  	_ =	shalt  }
0x7e: {  	_ =	shalt  }
0x7f: {  	_ =	shalt  }
0x80: {  	_ =	shalt  }
0x81: {  	_ =	shalt  }
0x82: {  	_ =	shalt  }
0x83: {  	_ =	shalt  }
0x84: {  	_ =	shalt  }
0x85: {  	_ =	shalt  }
0x86: {  	_ =	shalt  }
0x87: {  	_ =	shalt  }
.Lfunc_end0:
.L_simem_size_0:
called_computation_lowered:
.L_overlay_start_0:
0x88: {  	s2 =	sld [smem:$0x3FD9]  }
0x89: {  	s3 =	sld [smem:$0x3FFE];
	_ =	sdelay $0x1  }
0x8a: {  	s1 =	srdreg.scid  }
0x8b: {  	s0 =	sand.u32 $0x1, s1  }
0x8c: {  	s17 =	sshll.u32 s0, $0xA;
	s2 =	sadd.s32 s3, s2  }
0x8d: {  	s2 =	sadd.s32 s2, s17  }
0x8e: {  	[smem:$0x3FC6] =	sst s2  }
0x8f: {  	_ = 	snop  }
0x90: {  	s2 =	sld [smem:$0x3FC9]  }
0x91: {  	s18 =	sld [smem:$0x3FD0];
	(tm) =	ssettm $0x1  }
0x92: {  	s4 =	sld [smem:$0x3FFB];
	_ =	sdelay $0x3  }
0x93: {  	_ =	strace s4  }
0x94: {  	s4 =	sld [smem:$0x3FFC];
	_ =	sdelay $0x3  }
0x95: {  	_ =	strace s4  }
0x96: {  	s4 =	sld [smem:$0x3FFD];
	_ =	sdelay $0x3  }
0x97: {  	_ =	strace s4  }
0x98: {  	_ =	strace $0x8FFFFFFF  }
0x99: {  	s19 =	sld [smem:$0x3FDB];
	_ =	sdelay $0x1  }
0x9a: {  	s5 =	simm.s32 $_scs_section_size  }
0x9b: {  	s6 =	simm.s32 $_size__tile_overlayer_lowered;
	s7 =	simm.s32 $_tile_overlayer_lowered  }
0x9c: {  	s22 =	simm.s32 $0x1BFF;
	s21 =	sshll.u32 s7, $0x1;
	s4 =	sadd.s32 s5, s19  }
0x9d: {  	s8 =	simm.s32 $0x0;
	s20 =	sshll.u32 s6, $0x1;
	s6 =	sadd.s32 s21, s4  }
0x9e: {  	[timem:s8], [sflag:s22] =	dma.local [hbm:s6], s20  }
0x9f: {  	_ =	swait.ge [sflag:s22], s20  }
0xa0: {  	s5 =	ssub.s32 $0x0, s20;
	[sflag:s22] =	ssyncset.done $0x0  }
0xa1: {  	[sflag:s22] =	ssyncadd.s32 s5;
	_ =	sdelay $0x1  }
0xa2: {  	s23 =	simm.s32 $0x1B8B  }
0xa3: {  	_ =	swait.ge [sflag:s23], $0x1  }
0xa4: {  	[sflag:s23] =	ssyncset.done $0x0  }
0xa5: {  	s25 =	simm.s32 $0x1B8E;
	s24 =	sld [smem:$0x3FFE];
	[sflag:s23] =	ssyncadd.s32 $0xFFFFFFFF  }
0xa6: {  	s26 =	simm.s32 $execute0_lowered;
	[smem:$0x3FD2] =	sst s25  }
0xa7: {  	s6 =	sshll.u32 s26, $0x1;
	_ =	strace $0x80000046;
	[dreg:$0x1] =	wrdreg $0xFFFFFFFF  }
0xa8: {  	s28 =	simm.s32 $_size_execute0_lowered;
	s4 =	sadd.s32 s4, s6;
	[dreg:$0x0] =	wrdreg $0x0  }
0xa9: {  	s6 =	sshll.u32 s28, $0x1;
	[dreg:$0x2] =	wrdreg s4  }
0xaa: {  	[dreg:$0x3] =	wrdreg s6  }
0xab: {  	[dreg:$0x4] =	wrdreg $0xC0  }
0xac: {  	_ =	task [dreg:s8], $0x5FFFF  }
0xad: {  	[dreg:$0x1] =	wrdreg $0xFFFFFFFF  }
0xae: {  	[dreg:$0x0] =	wrdreg $0x60  }
0xaf: {  	[dreg:$0x2] =	wrdreg s2  }
0xb0: {  	[dreg:$0x3] =	wrdreg s24  }
0xb1: {  	[dreg:$0x4] =	wrdreg s18  }
0xb2: {  	[dreg:$0x5] =	wrdreg $0x9  }
0xb3: {  	_ =	task.clear_ibuf [dreg:s8], $0x6FFFF;
	_ =	strace $0x90000046  }
0xb4: {  	s29 =	simm.s32 $0x9;
	_ =	strace $0x80000048  }
0xb5: {  	_ =	swait.ge [sflag:s29], $0x1  }
0xb6: {  	[sflag:s29] =	ssyncadd.s32 $0xFFFFFFFF  }
0xb7: {  	_ =	strace $0x90000048  }
0xb8: {  	_ =	sfence  }
0xb9: {  	s30 =	sld [smem:$0x0];
	_ =	sdelay $0x2  }
0xba: {  	s31 =	sshll.u32 s1, $0xD;
	s1 =	sshrl.u32 s1, $0x2  }
0xbb: {  	s3 =	sand.u32 $0x4000, s31;
	s1 =	sadd.s32 s1, s30  }
0xbc: {  	s0 =	sor.u32 s3, s0;
	s1 =	sshll.u32 s1, $0x11  }
0xbd: {  	s0 =	sor.u32 s1, s0  }
0xbe: {  	s0 =	sadd.s32 $0x8F2B, s0  }
0xbf: {  	[sflag:s0] =	ssyncadd.remote.s32 $0x1  }
0xc0: {  	_ =	sfence.sel $0xFFFF  }
0xc1: {  	[dreg:$0x0] =	wrdreg $0xFFFFFFFF;
	(pc) =	sbr.abs _section_cstart, $3  }
0xc2: {  	[dreg:$0x1] =	wrdreg $0xFFFFFFFF  }
0xc3: {  	_ =	task.clear_ibuf [dreg:s8], $0x2FFFF;
	_ =	strace $0x9FFFFFFF  }
0xc4: {  	(tm) =	ssettm $0x7FFFFFFF  }
0xc5: {  	_ =	shalt  }
tec
execute0_lowered:
.L_overlay_start_1:
0x0: {  	(tag) =	ssettag $0x1  }
0x1: {  	s1 =	rddreg [dreg:$0x0]  }
0x2: {  	s2 =	srdreg.scid;
	s4 =	rddreg [dreg:$0x1]  }
0x3: {  	s0 =	stileid.u32;
	s6 =	rddreg [dreg:$0x2]  }
0x4: {  	s3 =	simm.s32 $0x0;
	s9 =	simm.s32 $0x2800;
	s10 =	simm.s32 $0x0  }
0x5: {  	s5 =	sand.u32 $0x1, s2;
	s7 =	sshll.u32 s0, $0x5;
	s2 =	rddreg [dreg:$0x3]  }
0x6: {  	[smem:$0x7FF] =	sst s3;
	s8 =	sshll.u32 s5, $0x4;
	s5 =	ssub.s32 $0x2, s5  }
0x7: {  	_ =	strace $0x80000047;
	s7 =	sor.u32 s8, s7;
	s30 =	sshrl.u32 s5, $0x1  }
0x8: {  	s8 =	sshll.u32 s7, $0x4;
	s31 =	sshll.u32 s7, $0x9;
	s7 =	simm.s32 $0x1  }
0x9: {  	s4 =	sadd.s32 s8, s4;
	s8 =	ssub.s32 s5, s30;
	s5 =	sadd.s32 s6, s31  }
0xa: {  	s4 =	sadd.s32 $0x600, s4;
	s6 =	smax.u32 s8, $0x1;
	s8 =	simm.s32 $0x2000  }
.LBB2_1:
0xb: {  	[tilespmem:s3], [sflag:$0x1] =	stream.linear.gather [hbm4b:s1+s3], $0x2000, $0x38;
	[tilespmem:$0x12800] =	vst v63  }
0xc: {  	_ =	swait.ge [sflag:s7], $0x2000  }
0xd: {  	[sflag:s7] =	ssyncset.done $0x0  }
0xe: {  	[sflag:s7] =	ssyncadd.s32 $0xFFFFE000  }
0xf: {  	[tilespmem:s8], [sflag:$0x1] =	stream.linear.gather [hbm4b:s4+s3], $0x800, $0x38;
	[tilespmem:$0x12800] =	vst v63  }
0x10: {  	_ =	swait.ge [sflag:s7], $0x800  }
0x11: {  	[sflag:s7] =	ssyncset.done $0x0  }
0x12: {  	s11 =	simm.s32 $0x0;
	s12 =	simm.s32 $0x0;
	[sflag:s7] =	ssyncadd.s32 $0xFFFFF800  }
.LBB2_2:
0x13: {  	s15 =	sshra.s32 s11, $0x2  }
0x14: {  	v1 =	vmov s15  }
0x15: {  	s13 =	sshll.u32 s12, $0x4  }
0x16: {  	s14 =	sadd.s32 $0x2000, s13  }
0x17: {  	s13 =	simm.s32 $0x0;
	s15 =	simm.s32 $0x0;
	v0 =	vmov s14;
	s14 =	simm.s32 $0x0  }
.LBB2_3:
0x18: {  	_ =	sdelay $0x1  }
0x19: {  	s16 =	sshll.u32 s15, $0x7  }
0x1a: {  	s16 =	sand.u32 $0x3FFFFF80, s16  }
0x1b: {  	v2 =	vld.idx.msk [tilespmem:v0+s16+$0x0 ss:$0x1], $0xffff;
	s16 =	simm.s32 $0x380  }
0x1c: {  	v3 =	vld.idx.msk [tilespmem:v1+s16+$0xFFFFFC80 ss:$0x1], $0xffff;
	_ =	sdelay $0x1  }
0x1d: {  	s17 =	sshll.u32 s14, $0x2;
	s18 =	sand.u32 $0x7, s13  }
0x1e: {  	s17 =	sand.u32 $0xFFFE0000, s17;
	s18 =	sshll.u32 s18, $0x9  }
0x1f: {  	s17 =	sor.u32 s18, s17  }
0x20: {  	s17 =	sshrl.u32 s17, $0x2;
	v3 =	vadd.f32 v3, v2  }
0x21: {  	s17 =	sor.u32 $0x2800, s17  }
0x22: {  	[tilespmem:v1+s17+$0x0 ss:$0x1] =	vst.idx.msk $0xffff, v3  }
0x23: {  	v3 =	vld.idx.msk [tilespmem:v1+s16+$0xFFFFFD00 ss:$0x1], $0xffff;
	_ =	sdelay $0x4  }
0x24: {  	v3 =	vadd.f32 v3, v2;
	_ =	sdelay $0x1  }
0x25: {  	[tilespmem:v1+s17+$0x40 ss:$0x1] =	vst.idx.msk $0xffff, v3  }
0x26: {  	v3 =	vld.idx.msk [tilespmem:v1+s16+$0xFFFFFD80 ss:$0x1], $0xffff;
	_ =	sdelay $0x4  }
0x27: {  	v3 =	vadd.f32 v3, v2;
	_ =	sdelay $0x1  }
0x28: {  	[tilespmem:v1+s17+$0x400 ss:$0x1] =	vst.idx.msk $0xffff, v3  }
0x29: {  	v3 =	vld.idx.msk [tilespmem:v1+s16+$0xFFFFFE00 ss:$0x1], $0xffff;
	_ =	sdelay $0x4  }
0x2a: {  	v3 =	vadd.f32 v3, v2;
	_ =	sdelay $0x1  }
0x2b: {  	[tilespmem:v1+s17+$0x440 ss:$0x1] =	vst.idx.msk $0xffff, v3  }
0x2c: {  	v3 =	vld.idx.msk [tilespmem:v1+s16+$0xFFFFFE80 ss:$0x1], $0xffff;
	_ =	sdelay $0x4  }
0x2d: {  	v3 =	vadd.f32 v3, v2;
	_ =	sdelay $0x1  }
0x2e: {  	[tilespmem:v1+s17+$0x800 ss:$0x1] =	vst.idx.msk $0xffff, v3  }
0x2f: {  	v3 =	vld.idx.msk [tilespmem:v1+s16+$0xFFFFFF00 ss:$0x1], $0xffff;
	_ =	sdelay $0x4  }
0x30: {  	v3 =	vadd.f32 v3, v2;
	_ =	sdelay $0x1  }
0x31: {  	[tilespmem:v1+s17+$0x840 ss:$0x1] =	vst.idx.msk $0xffff, v3  }
0x32: {  	v3 =	vld.idx.msk [tilespmem:v1+s16+$0xFFFFFF80 ss:$0x1], $0xffff;
	_ =	sdelay $0x4  }
0x33: {  	v3 =	vadd.f32 v3, v2;
	_ =	sdelay $0x1  }
0x34: {  	[tilespmem:v1+s17+$0xC00 ss:$0x1] =	vst.idx.msk $0xffff, v3  }
0x35: {  	v3 =	vld.idx.msk [tilespmem:v1+s16+$0x0 ss:$0x1], $0xffff;
	_ =	sdelay $0x4  }
0x36: {  	s18 =	simm.s32 $0x0;
	v3 =	vadd.f32 v3, v2  }
.LBB2_4:
0x37: {  	_ = 	snop  }
0x38: {  	s18 =	sadd.s32 $0x8, s18;
	s16 =	sadd.s32 $0x400, s16;
	[tilespmem:v1+s17+$0xC40 ss:$0x1] =	vst.idx.msk $0xffff, v3;
	s17 =	sadd.s32 $0x1000, s17  }
0x39: {  	p0 =	slt.u32 s18, $0x38;
	v3 =	vld.idx.msk [tilespmem:v1+s16+$0xFFFFFC80 ss:$0x1], $0xffff;
	_ =	sdelay $0x5  }
0x3a: {  	v3 =	vadd.f32 v3, v2;
	_ =	sdelay $0x1  }
0x3b: {  	[tilespmem:v1+s17+$0x0 ss:$0x1] =	vst.idx.msk $0xffff, v3  }
0x3c: {  	v3 =	vld.idx.msk [tilespmem:v1+s16+$0xFFFFFD00 ss:$0x1], $0xffff;
	_ =	sdelay $0x5  }
0x3d: {  	v3 =	vadd.f32 v3, v2;
	_ =	sdelay $0x1  }
0x3e: {  	[tilespmem:v1+s17+$0x40 ss:$0x1] =	vst.idx.msk $0xffff, v3  }
0x3f: {  	v3 =	vld.idx.msk [tilespmem:v1+s16+$0xFFFFFD80 ss:$0x1], $0xffff;
	_ =	sdelay $0x5  }
0x40: {  	v3 =	vadd.f32 v3, v2;
	_ =	sdelay $0x1  }
0x41: {  	[tilespmem:v1+s17+$0x400 ss:$0x1] =	vst.idx.msk $0xffff, v3  }
0x42: {  	v3 =	vld.idx.msk [tilespmem:v1+s16+$0xFFFFFE00 ss:$0x1], $0xffff;
	_ =	sdelay $0x5  }
0x43: {  	v3 =	vadd.f32 v3, v2;
	_ =	sdelay $0x1  }
0x44: {  	[tilespmem:v1+s17+$0x440 ss:$0x1] =	vst.idx.msk $0xffff, v3  }
0x45: {  	v3 =	vld.idx.msk [tilespmem:v1+s16+$0xFFFFFE80 ss:$0x1], $0xffff;
	_ =	sdelay $0x5  }
0x46: {  	v3 =	vadd.f32 v3, v2;
	_ =	sdelay $0x1  }
0x47: {  	[tilespmem:v1+s17+$0x800 ss:$0x1] =	vst.idx.msk $0xffff, v3  }
0x48: {  	v3 =	vld.idx.msk [tilespmem:v1+s16+$0xFFFFFF00 ss:$0x1], $0xffff;
	_ =	sdelay $0x5  }
0x49: {  	v3 =	vadd.f32 v3, v2;
	_ =	sdelay $0x1  }
0x4a: {  	[tilespmem:v1+s17+$0x840 ss:$0x1] =	vst.idx.msk $0xffff, v3  }
0x4b: {  	v3 =	vld.idx.msk [tilespmem:v1+s16+$0xFFFFFF80 ss:$0x1], $0xffff;
	_ =	sdelay $0x5  }
0x4c: {  	v3 =	vadd.f32 v3, v2;
	_ =	sdelay $0x1  }
0x4d: {  	[tilespmem:v1+s17+$0xC00 ss:$0x1] =	vst.idx.msk $0xffff, v3  }
0x4e: {  	v3 =	vld.idx.msk [tilespmem:v1+s16+$0x0 ss:$0x1], $0xffff;
	_ =	sdelay $0x1  }
.Ltmp0:
0x4f: {  	(pc) =	sbr.rel @p0 .LBB2_4-.Ltmp0, $2  }
0x50: {  	_ =	sdelay $0x2  }
0x51: {  	v3 =	vadd.f32 v3, v2  }
0x52: {  	s15 =	sadd.s32 $0x1, s15  }
0x53: {  	p0 =	sne.s32 s15, $0x10  }
.Ltmp1:
0x54: {  	_ = 	snop;
	(pc) =	sbr.rel @p0 .LBB2_3-.Ltmp1, $2  }
0x55: {  	_ =	sdelay $0x2  }
0x56: {  	s14 =	sadd.s32 $0x1000, s14;
	s13 =	sadd.s32 $0x1, s13;
	[tilespmem:v1+s17+$0xC40 ss:$0x1] =	vst.idx.msk $0xffff, v3  }
0x57: {  	s12 =	sadd.s32 $0x1, s12  }
0x58: {  	p0 =	sne.s32 s12, $0x4  }
.Ltmp2:
0x59: {  	_ = 	snop;
	(pc) =	sbr.rel @p0 .LBB2_2-.Ltmp2, $2  }
0x5a: {  	_ =	sdelay $0x2  }
0x5b: {  	s11 =	sadd.s32 $0x40, s11  }
0x5c: {  	s10 =	sadd.s32 $0x1, s10  }
0x5d: {  	p0 =	sne.s32 s10, s6  }
.Ltmp3:
0x5e: {  	_ = 	snop;
	(pc) =	sbr.rel @p0 .LBB2_1-.Ltmp3, $4  }
0x5f: {  	[hbm4b:s5+s3] =	stream.linear.scatter [tilespmem:s9], [sflag:$0x1], $0x10000, $0x38;
	[tilespmem:$0x12800] =	vst v63  }
0x60: {  	_ =	swait.ge [sflag:s7], $0x10000  }
0x61: {  	[sflag:s7] =	ssyncset.done $0x0  }
0x62: {  	[sflag:s7] =	ssyncadd.s32 $0xFFFF0000  }
0x63: {  	_ =	sfence.sel $0x180000  }
0x64: {  	[bflag:$0x0] =	sbarrier.arrive $0xFFFF  }
0x65: {  	p0 =	sne.s32 s0, $0x0;
	_ =	strace $0x90000047  }
0x66: {  	s0 =	sadd.s32 @!p0 $0x100000, s2;
	[bflag:$0x2] =	sbarrier.arrive $0xFFFF  }
0x67: {  	[sflag:s0] =	ssyncadd.tile.s32 @!p0 $0x1;
	_ =	shalt  }
.Lfunc_end2:
_tile_overlayer_lowered:
.L_overlay_start_2:
0x68: {  	(tag) =	ssettag $0x2  }
0x69: {  	s0 =	rddreg [dreg:$0x0];
	s2 =	stileid.u32  }
0x6a: {  	s1 =	rddreg [dreg:$0x1];
	p0 =	sne.s32 s2, $0x0  }
0x6b: {  	s3 =	rddreg [dreg:$0x2];
	[bflag:$0x3] =	sbarrier.arrive $0xFFFF;
	s2 =	simm.s32 @!p0 $0x1C01  }
0x6c: {  	[timem:s3], [sflag:s2] =	dma.local @!p0 [hbm:s0], s1  }
0x6d: {  	s0 =	simm.s32 @!p0 $0x1  }
0x6e: {  	_ =	swait.ge @!p0 [sflag:s0], s1  }
0x6f: {  	s1 =	ssub.s32 @!p0 $0x0, s1;
	[sflag:s0] =	ssyncset.done @!p0 $0x0  }
0x70: {  	[sflag:s0] =	ssyncadd.s32 @!p0 s1  }
0x71: {  	[bflag:$0x3] =	sbarrier.arrive $0xFFFF  }
0x72: {  	_ =	shalt  }

</sc_bundles>
